<compile_context>
chip_gen: v7x
topology: tpu7x:2x2x1
jax: 0.10.2.dev20260603
libtpu: 0.0.44.dev20260713+nightly
codegen_flags: <defaults>
</compile_context>

<pallas_src>
import functools

import jax
import jax.numpy as jnp
from jax import lax
from jax.experimental import pallas as pl
from jax.experimental.pallas import tpu as pltpu
from jax.experimental.pallas import tpu_sc as plsc

_NUM_EMB = 1000
_DIM = 1024
_BATCH = 4096

_info = plsc.get_sparse_core_info()
_NC = _info.num_cores
_NS = _info.num_subcores
_NW = _NC * _NS
_B_PER_W = _BATCH // _NW

_CHUNKS = (32, 32, 32, 32)
_BUF_OF = (0, 1, 2, 0)
_BUF_ROWS = (32, 32, 32)
_OFFS = (0, 32, 64, 96)

_mesh = plsc.VectorSubcoreMesh(core_axis_name="c", subcore_axis_name="s")


@functools.partial(
    pl.kernel,
    mesh=_mesh,
    out_type=jax.ShapeDtypeStruct((_BATCH, _DIM), jnp.float32),
    scratch_types=(
        [pltpu.VMEM((_B_PER_W,), jnp.int32)]
        + [pltpu.VMEM((r, _DIM), jnp.float32) for r in _BUF_ROWS]
        + [pltpu.SemaphoreType.DMA] * 8
    ),
)
def _emb_gather(labels_hbm, table_hbm, out_hbm, idx_v,
                buf0, buf1, buf2, gs0, gs1, gs2, ws0, ws1, ws2, is0, is1):
    bufs = (buf0, buf1, buf2)
    gsems = (gs0, gs1, gs2)
    wsems = (ws0, ws1, ws2)
    wid = lax.axis_index("s") * _NC + lax.axis_index("c")
    base = wid * _B_PER_W
    ai0 = pltpu.async_copy(
        labels_hbm.at[pl.ds(base, _CHUNKS[0])],
        idx_v.at[pl.ds(0, _CHUNKS[0])], is0)
    ai1 = pltpu.async_copy(
        labels_hbm.at[pl.ds(base + _CHUNKS[0], _B_PER_W - _CHUNKS[0])],
        idx_v.at[pl.ds(_CHUNKS[0], _B_PER_W - _CHUNKS[0])], is1)

    def issue_g(j):
        b = _BUF_OF[j]
        return pltpu.async_copy(
            table_hbm.at[idx_v.at[pl.ds(_OFFS[j], _CHUNKS[j])]],
            bufs[b].at[pl.ds(0, _CHUNKS[j])],
            gsems[b],
        )

    def issue_w(j):
        b = _BUF_OF[j]
        return pltpu.async_copy(
            bufs[b].at[pl.ds(0, _CHUNKS[j])],
            out_hbm.at[pl.ds(base + _OFFS[j], _CHUNKS[j])],
            wsems[b],
        )

    ai0.wait()
    g0 = issue_g(0)
    ai1.wait()
    g1 = issue_g(1)
    g2 = issue_g(2)
    g0.wait()
    w0 = issue_w(0)
    w0.wait()
    g3 = issue_g(3)
    g1.wait()
    w1 = issue_w(1)
    g2.wait()
    w2 = issue_w(2)
    g3.wait()
    w3 = issue_w(3)
    w1.wait()
    w2.wait()
    w3.wait()


def kernel(labels, table):
    return _emb_gather(labels.astype(jnp.int32), table)

# --- scband reference (transcript-rebuilt; emitter-appended) ---
"""Pipeline reference for scband-class-emb-wrapper-40819369181738 (READ-ONLY COPY).

The authoritative reference and input builder live on the scoring server;
editing this copy changes nothing except your own understanding.
"""

import jax, jax.numpy as jnp
import numpy as np

NUM_EMBEDDINGS = 1000
EMBEDDING_DIM = 1024
BATCH = 4096

def setup_inputs(seed: int = 0) -> dict:
    key = jax.random.key(seed)
    k_lab, k_tab = jax.random.split(key)
    labels = jax.random.randint(k_lab, (BATCH,), 0, NUM_EMBEDDINGS, dtype=jnp.int64 if jax.config.jax_enable_x64 else jnp.int32)
    table = jax.random.normal(k_tab, (NUM_EMBEDDINGS, EMBEDDING_DIM), dtype=jnp.float32) * 0.02
    return {"labels": labels, "table": table}

def reference(labels, table):
    # ClassEmbWrapper.forward: self.class_emb(labels) -> nn.Embedding lookup
    return jnp.take(table, labels, axis=0)

if __name__ == "__main__":
    import jax
    _d = setup_inputs()
    print(jax.jit(kernel)(*tuple(_d.values())))

</pallas_src>

<mosaic_0001>
#map = affine_map<(d0, d1) -> (0)>
#map1 = affine_map<(d0, d1) -> (0, 0)>
module attributes {stable_mosaic.version = 14 : i64} {
  func.func @_emb_gather(%arg0: i32, %arg1: i32, %arg2: memref<4096xi32, #tpu.memory_space<hbm>>, %arg3: memref<1000x1024xf32, #tpu.memory_space<hbm>>, %arg4: memref<4096x1024xf32, #tpu.memory_space<hbm>>, %arg5: memref<128xi32, #tpu.memory_space<vmem>>, %arg6: memref<32x1024xf32, #tpu.memory_space<vmem>>, %arg7: memref<32x1024xf32, #tpu.memory_space<vmem>>, %arg8: memref<32x1024xf32, #tpu.memory_space<vmem>>, %arg9: memref<!tpu.dma_semaphore, #tpu.memory_space<semaphore_mem>>, %arg10: memref<!tpu.dma_semaphore, #tpu.memory_space<semaphore_mem>>, %arg11: memref<!tpu.dma_semaphore, #tpu.memory_space<semaphore_mem>>, %arg12: memref<!tpu.dma_semaphore, #tpu.memory_space<semaphore_mem>>, %arg13: memref<!tpu.dma_semaphore, #tpu.memory_space<semaphore_mem>>, %arg14: memref<!tpu.dma_semaphore, #tpu.memory_space<semaphore_mem>>, %arg15: memref<!tpu.dma_semaphore, #tpu.memory_space<semaphore_mem>>, %arg16: memref<!tpu.dma_semaphore, #tpu.memory_space<semaphore_mem>>) attributes {dimension_semantics = [#tpu.dimension_semantics<core_parallel>, #tpu.dimension_semantics<subcore_parallel>], iteration_bounds = array<i64: 2, 16>, scalar_prefetch = 0 : i64, scratch_operands = 12 : i64, tpu.core_type = #tpu.core_type<sc_vector_subcore>, window_params = [{transform_indices = #map}, {transform_indices = #map1}, {transform_indices = #map1}]} {
    %mul3A = arith.constant 2 : i32
    %mul3A_0 = arith.muli %arg1, %mul3A : i32
    %add3A = arith.addi %mul3A_0, %arg0 : i32
    %mul3A_1 = arith.constant 128 : i32
    %mul3A_2 = arith.muli %add3A, %mul3A_1 : i32
    %dma_start3A = arith.constant 0 : i32
    %dma_start3A_3 = tpu.memref_slice %arg5[%dma_start3A] : memref<128xi32, #tpu.memory_space<vmem>> -> memref<32xi32, #tpu.memory_space<vmem>>
    %dma_start3A_4 = tpu.memref_slice %arg2[%mul3A_2] : memref<4096xi32, #tpu.memory_space<hbm>> -> memref<32xi32, #tpu.memory_space<hbm>>
    %dma_start3A_5 = arith.constant 0 : i32
    %dma_start3A_6 = tpu.memref_slice %arg5[%dma_start3A_5] : memref<128xi32, #tpu.memory_space<vmem>> -> memref<32xi32, #tpu.memory_space<vmem>>
    %dma_start3A_7 = tpu.memref_slice %arg2[%mul3A_2] : memref<4096xi32, #tpu.memory_space<hbm>> -> memref<32xi32, #tpu.memory_space<hbm>>
    tpu.enqueue_dma source(%dma_start3A_7 : memref<32xi32, #tpu.memory_space<hbm>>) target(%dma_start3A_6 : memref<32xi32, #tpu.memory_space<vmem>>) target_semaphore(%arg15 : memref<!tpu.dma_semaphore, #tpu.memory_space<semaphore_mem>>)
    %add3A_8 = arith.constant 32 : i32
    %add3A_9 = arith.addi %mul3A_2, %add3A_8 : i32
    %dma_start3A_10 = arith.constant 32 : i32
    %dma_start3A_11 = tpu.memref_slice %arg5[%dma_start3A_10] : memref<128xi32, #tpu.memory_space<vmem>> -> memref<96xi32, #tpu.memory_space<vmem>>
    %dma_start3A_12 = tpu.memref_slice %arg2[%add3A_9] : memref<4096xi32, #tpu.memory_space<hbm>> -> memref<96xi32, #tpu.memory_space<hbm>>
    %dma_start3A_13 = arith.constant 32 : i32
    %dma_start3A_14 = tpu.memref_slice %arg5[%dma_start3A_13] : memref<128xi32, #tpu.memory_space<vmem>> -> memref<96xi32, #tpu.memory_space<vmem>>
    %dma_start3A_15 = tpu.memref_slice %arg2[%add3A_9] : memref<4096xi32, #tpu.memory_space<hbm>> -> memref<96xi32, #tpu.memory_space<hbm>>
    tpu.enqueue_dma source(%dma_start3A_15 : memref<96xi32, #tpu.memory_space<hbm>>) target(%dma_start3A_14 : memref<96xi32, #tpu.memory_space<vmem>>) target_semaphore(%arg16 : memref<!tpu.dma_semaphore, #tpu.memory_space<semaphore_mem>>)
    %dma_wait3A = arith.constant 0 : i32
    %dma_wait3A_16 = tpu.memref_slice %arg5[%dma_wait3A] : memref<128xi32, #tpu.memory_space<vmem>> -> memref<32xi32, #tpu.memory_space<vmem>>
    %dma_wait3A_17 = tpu.memref_slice %arg2[%mul3A_2] : memref<4096xi32, #tpu.memory_space<hbm>> -> memref<32xi32, #tpu.memory_space<hbm>>
    %dma_wait3A_18 = arith.constant 0 : i32
    %dma_wait3A_19 = tpu.memref_slice %arg5[%dma_wait3A_18] : memref<128xi32, #tpu.memory_space<vmem>> -> memref<32xi32, #tpu.memory_space<vmem>>
    %dma_wait3A_20 = tpu.memref_slice %arg2[%mul3A_2] : memref<4096xi32, #tpu.memory_space<hbm>> -> memref<32xi32, #tpu.memory_space<hbm>>
    tpu.wait_dma2 semaphore(%arg15 : memref<!tpu.dma_semaphore, #tpu.memory_space<semaphore_mem>>) src(%dma_wait3A_20 : memref<32xi32, #tpu.memory_space<hbm>>) dst(%dma_wait3A_19 : memref<32xi32, #tpu.memory_space<vmem>>)
    %dma_start3A_21 = arith.constant 0 : i32
    %dma_start3A_22 = arith.constant 0 : i32
    %dma_start3A_23 = tpu.memref_slice %arg6[%dma_start3A_21, %dma_start3A_22] : memref<32x1024xf32, #tpu.memory_space<vmem>> -> memref<32x1024xf32, #tpu.memory_space<vmem>>
    %dma_start3A_24 = arith.constant 0 : i32
    %dma_start3A_25 = tpu.memref_slice %arg5[%dma_start3A_24] : memref<128xi32, #tpu.memory_space<vmem>> -> memref<32xi32, #tpu.memory_space<vmem>>
    %dma_start3A_26 = arith.constant 0 : i32
    %dma_start3A_27 = arith.constant 0 : i32
    %dma_start3A_28 = tpu.memref_slice %arg3[%dma_start3A_26, %dma_start3A_27] : memref<1000x1024xf32, #tpu.memory_space<hbm>> -> memref<1000x1024xf32, #tpu.memory_space<hbm>>
    tpu.enqueue_indirect_dma source(%dma_start3A_28 : memref<1000x1024xf32, #tpu.memory_space<hbm>>) target(%dma_start3A_23 : memref<32x1024xf32, #tpu.memory_space<vmem>>) offsets(%dma_start3A_25 : memref<32xi32, #tpu.memory_space<vmem>>) semaphore(%arg9 : memref<!tpu.dma_semaphore, #tpu.memory_space<semaphore_mem>>)
    %dma_wait3A_29 = arith.constant 32 : i32
    %dma_wait3A_30 = tpu.memref_slice %arg5[%dma_wait3A_29] : memref<128xi32, #tpu.memory_space<vmem>> -> memref<96xi32, #tpu.memory_space<vmem>>
    %dma_wait3A_31 = tpu.memref_slice %arg2[%add3A_9] : memref<4096xi32, #tpu.memory_space<hbm>> -> memref<96xi32, #tpu.memory_space<hbm>>
    %dma_wait3A_32 = arith.constant 32 : i32
    %dma_wait3A_33 = tpu.memref_slice %arg5[%dma_wait3A_32] : memref<128xi32, #tpu.memory_space<vmem>> -> memref<96xi32, #tpu.memory_space<vmem>>
    %dma_wait3A_34 = tpu.memref_slice %arg2[%add3A_9] : memref<4096xi32, #tpu.memory_space<hbm>> -> memref<96xi32, #tpu.memory_space<hbm>>
    tpu.wait_dma2 semaphore(%arg16 : memref<!tpu.dma_semaphore, #tpu.memory_space<semaphore_mem>>) src(%dma_wait3A_34 : memref<96xi32, #tpu.memory_space<hbm>>) dst(%dma_wait3A_33 : memref<96xi32, #tpu.memory_space<vmem>>)
    %dma_start3A_35 = arith.constant 0 : i32
    %dma_start3A_36 = arith.constant 0 : i32
    %dma_start3A_37 = tpu.memref_slice %arg7[%dma_start3A_35, %dma_start3A_36] : memref<32x1024xf32, #tpu.memory_space<vmem>> -> memref<32x1024xf32, #tpu.memory_space<vmem>>
    %dma_start3A_38 = arith.constant 32 : i32
    %dma_start3A_39 = tpu.memref_slice %arg5[%dma_start3A_38] : memref<128xi32, #tpu.memory_space<vmem>> -> memref<32xi32, #tpu.memory_space<vmem>>
    %dma_start3A_40 = arith.constant 0 : i32
    %dma_start3A_41 = arith.constant 0 : i32
    %dma_start3A_42 = tpu.memref_slice %arg3[%dma_start3A_40, %dma_start3A_41] : memref<1000x1024xf32, #tpu.memory_space<hbm>> -> memref<1000x1024xf32, #tpu.memory_space<hbm>>
    tpu.enqueue_indirect_dma source(%dma_start3A_42 : memref<1000x1024xf32, #tpu.memory_space<hbm>>) target(%dma_start3A_37 : memref<32x1024xf32, #tpu.memory_space<vmem>>) offsets(%dma_start3A_39 : memref<32xi32, #tpu.memory_space<vmem>>) semaphore(%arg10 : memref<!tpu.dma_semaphore, #tpu.memory_space<semaphore_mem>>)
    %dma_start3A_43 = arith.constant 0 : i32
    %dma_start3A_44 = arith.constant 0 : i32
    %dma_start3A_45 = tpu.memref_slice %arg8[%dma_start3A_43, %dma_start3A_44] : memref<32x1024xf32, #tpu.memory_space<vmem>> -> memref<32x1024xf32, #tpu.memory_space<vmem>>
    %dma_start3A_46 = arith.constant 64 : i32
    %dma_start3A_47 = tpu.memref_slice %arg5[%dma_start3A_46] : memref<128xi32, #tpu.memory_space<vmem>> -> memref<32xi32, #tpu.memory_space<vmem>>
    %dma_start3A_48 = arith.constant 0 : i32
    %dma_start3A_49 = arith.constant 0 : i32
    %dma_start3A_50 = tpu.memref_slice %arg3[%dma_start3A_48, %dma_start3A_49] : memref<1000x1024xf32, #tpu.memory_space<hbm>> -> memref<1000x1024xf32, #tpu.memory_space<hbm>>
    tpu.enqueue_indirect_dma source(%dma_start3A_50 : memref<1000x1024xf32, #tpu.memory_space<hbm>>) target(%dma_start3A_45 : memref<32x1024xf32, #tpu.memory_space<vmem>>) offsets(%dma_start3A_47 : memref<32xi32, #tpu.memory_space<vmem>>) semaphore(%arg11 : memref<!tpu.dma_semaphore, #tpu.memory_space<semaphore_mem>>)
    %dma_wait3A_51 = arith.constant 0 : i32
    %dma_wait3A_52 = arith.constant 0 : i32
    %dma_wait3A_53 = tpu.memref_slice %arg6[%dma_wait3A_51, %dma_wait3A_52] : memref<32x1024xf32, #tpu.memory_space<vmem>> -> memref<32x1024xf32, #tpu.memory_space<vmem>>
    %dma_wait3A_54 = arith.constant 0 : i32
    %dma_wait3A_55 = tpu.memref_slice %arg5[%dma_wait3A_54] : memref<128xi32, #tpu.memory_space<vmem>> -> memref<32xi32, #tpu.memory_space<vmem>>
    %dma_wait3A_56 = arith.constant 0 : i32
    %dma_wait3A_57 = arith.constant 0 : i32
    %dma_wait3A_58 = tpu.memref_slice %arg3[%dma_wait3A_56, %dma_wait3A_57] : memref<1000x1024xf32, #tpu.memory_space<hbm>> -> memref<1000x1024xf32, #tpu.memory_space<hbm>>
    tpu.wait_indirect_dma semaphore(%arg9 : memref<!tpu.dma_semaphore, #tpu.memory_space<semaphore_mem>>) src(%dma_wait3A_58 : memref<1000x1024xf32, #tpu.memory_space<hbm>>) dst(%dma_wait3A_53 : memref<32x1024xf32, #tpu.memory_space<vmem>>)
    %add3A_59 = arith.constant 0 : i32
    %add3A_60 = arith.addi %mul3A_2, %add3A_59 : i32
    %dma_start3A_61 = arith.constant 0 : i32
    %dma_start3A_62 = arith.constant 0 : i32
    %dma_start3A_63 = tpu.memref_slice %arg6[%dma_start3A_61, %dma_start3A_62] : memref<32x1024xf32, #tpu.memory_space<vmem>> -> memref<32x1024xf32, #tpu.memory_space<vmem>>
    %dma_start3A_64 = arith.constant 0 : i32
    %dma_start3A_65 = tpu.memref_slice %arg4[%add3A_60, %dma_start3A_64] : memref<4096x1024xf32, #tpu.memory_space<hbm>> -> memref<32x1024xf32, #tpu.memory_space<hbm>>
    %dma_start3A_66 = arith.constant 0 : i32
    %dma_start3A_67 = tpu.memref_slice %arg4[%add3A_60, %dma_start3A_66] : memref<4096x1024xf32, #tpu.memory_space<hbm>> -> memref<32x1024xf32, #tpu.memory_space<hbm>>
    %dma_start3A_68 = arith.constant 0 : i32
    %dma_start3A_69 = arith.constant 0 : i32
    %dma_start3A_70 = tpu.memref_slice %arg6[%dma_start3A_68, %dma_start3A_69] : memref<32x1024xf32, #tpu.memory_space<vmem>> -> memref<32x1024xf32, #tpu.memory_space<vmem>>
    tpu.enqueue_dma source(%dma_start3A_70 : memref<32x1024xf32, #tpu.memory_space<vmem>>) target(%dma_start3A_67 : memref<32x1024xf32, #tpu.memory_space<hbm>>) target_semaphore(%arg12 : memref<!tpu.dma_semaphore, #tpu.memory_space<semaphore_mem>>)
    %dma_wait3A_71 = arith.constant 0 : i32
    %dma_wait3A_72 = arith.constant 0 : i32
    %dma_wait3A_73 = tpu.memref_slice %arg6[%dma_wait3A_71, %dma_wait3A_72] : memref<32x1024xf32, #tpu.memory_space<vmem>> -> memref<32x1024xf32, #tpu.memory_space<vmem>>
    %dma_wait3A_74 = arith.constant 0 : i32
    %dma_wait3A_75 = tpu.memref_slice %arg4[%add3A_60, %dma_wait3A_74] : memref<4096x1024xf32, #tpu.memory_space<hbm>> -> memref<32x1024xf32, #tpu.memory_space<hbm>>
    %dma_wait3A_76 = arith.constant 0 : i32
    %dma_wait3A_77 = tpu.memref_slice %arg4[%add3A_60, %dma_wait3A_76] : memref<4096x1024xf32, #tpu.memory_space<hbm>> -> memref<32x1024xf32, #tpu.memory_space<hbm>>
    %dma_wait3A_78 = arith.constant 0 : i32
    %dma_wait3A_79 = arith.constant 0 : i32
    %dma_wait3A_80 = tpu.memref_slice %arg6[%dma_wait3A_78, %dma_wait3A_79] : memref<32x1024xf32, #tpu.memory_space<vmem>> -> memref<32x1024xf32, #tpu.memory_space<vmem>>
    tpu.wait_dma2 semaphore(%arg12 : memref<!tpu.dma_semaphore, #tpu.memory_space<semaphore_mem>>) src(%dma_wait3A_80 : memref<32x1024xf32, #tpu.memory_space<vmem>>) dst(%dma_wait3A_77 : memref<32x1024xf32, #tpu.memory_space<hbm>>)
    %dma_start3A_81 = arith.constant 0 : i32
    %dma_start3A_82 = arith.constant 0 : i32
    %dma_start3A_83 = tpu.memref_slice %arg6[%dma_start3A_81, %dma_start3A_82] : memref<32x1024xf32, #tpu.memory_space<vmem>> -> memref<32x1024xf32, #tpu.memory_space<vmem>>
    %dma_start3A_84 = arith.constant 96 : i32
    %dma_start3A_85 = tpu.memref_slice %arg5[%dma_start3A_84] : memref<128xi32, #tpu.memory_space<vmem>> -> memref<32xi32, #tpu.memory_space<vmem>>
    %dma_start3A_86 = arith.constant 0 : i32
    %dma_start3A_87 = arith.constant 0 : i32
    %dma_start3A_88 = tpu.memref_slice %arg3[%dma_start3A_86, %dma_start3A_87] : memref<1000x1024xf32, #tpu.memory_space<hbm>> -> memref<1000x1024xf32, #tpu.memory_space<hbm>>
    tpu.enqueue_indirect_dma source(%dma_start3A_88 : memref<1000x1024xf32, #tpu.memory_space<hbm>>) target(%dma_start3A_83 : memref<32x1024xf32, #tpu.memory_space<vmem>>) offsets(%dma_start3A_85 : memref<32xi32, #tpu.memory_space<vmem>>) semaphore(%arg9 : memref<!tpu.dma_semaphore, #tpu.memory_space<semaphore_mem>>)
    %dma_wait3A_89 = arith.constant 0 : i32
    %dma_wait3A_90 = arith.constant 0 : i32
    %dma_wait3A_91 = tpu.memref_slice %arg7[%dma_wait3A_89, %dma_wait3A_90] : memref<32x1024xf32, #tpu.memory_space<vmem>> -> memref<32x1024xf32, #tpu.memory_space<vmem>>
    %dma_wait3A_92 = arith.constant 32 : i32
    %dma_wait3A_93 = tpu.memref_slice %arg5[%dma_wait3A_92] : memref<128xi32, #tpu.memory_space<vmem>> -> memref<32xi32, #tpu.memory_space<vmem>>
    %dma_wait3A_94 = arith.constant 0 : i32
    %dma_wait3A_95 = arith.constant 0 : i32
    %dma_wait3A_96 = tpu.memref_slice %arg3[%dma_wait3A_94, %dma_wait3A_95] : memref<1000x1024xf32, #tpu.memory_space<hbm>> -> memref<1000x1024xf32, #tpu.memory_space<hbm>>
    tpu.wait_indirect_dma semaphore(%arg10 : memref<!tpu.dma_semaphore, #tpu.memory_space<semaphore_mem>>) src(%dma_wait3A_96 : memref<1000x1024xf32, #tpu.memory_space<hbm>>) dst(%dma_wait3A_91 : memref<32x1024xf32, #tpu.memory_space<vmem>>)
    %add3A_97 = arith.constant 32 : i32
    %add3A_98 = arith.addi %mul3A_2, %add3A_97 : i32
    %dma_start3A_99 = arith.constant 0 : i32
    %dma_start3A_100 = arith.constant 0 : i32
    %dma_start3A_101 = tpu.memref_slice %arg7[%dma_start3A_99, %dma_start3A_100] : memref<32x1024xf32, #tpu.memory_space<vmem>> -> memref<32x1024xf32, #tpu.memory_space<vmem>>
    %dma_start3A_102 = arith.constant 0 : i32
    %dma_start3A_103 = tpu.memref_slice %arg4[%add3A_98, %dma_start3A_102] : memref<4096x1024xf32, #tpu.memory_space<hbm>> -> memref<32x1024xf32, #tpu.memory_space<hbm>>
    %dma_start3A_104 = arith.constant 0 : i32
    %dma_start3A_105 = tpu.memref_slice %arg4[%add3A_98, %dma_start3A_104] : memref<4096x1024xf32, #tpu.memory_space<hbm>> -> memref<32x1024xf32, #tpu.memory_space<hbm>>
    %dma_start3A_106 = arith.constant 0 : i32
    %dma_start3A_107 = arith.constant 0 : i32
    %dma_start3A_108 = tpu.memref_slice %arg7[%dma_start3A_106, %dma_start3A_107] : memref<32x1024xf32, #tpu.memory_space<vmem>> -> memref<32x1024xf32, #tpu.memory_space<vmem>>
    tpu.enqueue_dma source(%dma_start3A_108 : memref<32x1024xf32, #tpu.memory_space<vmem>>) target(%dma_start3A_105 : memref<32x1024xf32, #tpu.memory_space<hbm>>) target_semaphore(%arg13 : memref<!tpu.dma_semaphore, #tpu.memory_space<semaphore_mem>>)
    %dma_wait3A_109 = arith.constant 0 : i32
    %dma_wait3A_110 = arith.constant 0 : i32
    %dma_wait3A_111 = tpu.memref_slice %arg8[%dma_wait3A_109, %dma_wait3A_110] : memref<32x1024xf32, #tpu.memory_space<vmem>> -> memref<32x1024xf32, #tpu.memory_space<vmem>>
    %dma_wait3A_112 = arith.constant 64 : i32
    %dma_wait3A_113 = tpu.memref_slice %arg5[%dma_wait3A_112] : memref<128xi32, #tpu.memory_space<vmem>> -> memref<32xi32, #tpu.memory_space<vmem>>
    %dma_wait3A_114 = arith.constant 0 : i32
    %dma_wait3A_115 = arith.constant 0 : i32
    %dma_wait3A_116 = tpu.memref_slice %arg3[%dma_wait3A_114, %dma_wait3A_115] : memref<1000x1024xf32, #tpu.memory_space<hbm>> -> memref<1000x1024xf32, #tpu.memory_space<hbm>>
    tpu.wait_indirect_dma semaphore(%arg11 : memref<!tpu.dma_semaphore, #tpu.memory_space<semaphore_mem>>) src(%dma_wait3A_116 : memref<1000x1024xf32, #tpu.memory_space<hbm>>) dst(%dma_wait3A_111 : memref<32x1024xf32, #tpu.memory_space<vmem>>)
    %add3A_117 = arith.constant 64 : i32
    %add3A_118 = arith.addi %mul3A_2, %add3A_117 : i32
    %dma_start3A_119 = arith.constant 0 : i32
    %dma_start3A_120 = arith.constant 0 : i32
    %dma_start3A_121 = tpu.memref_slice %arg8[%dma_start3A_119, %dma_start3A_120] : memref<32x1024xf32, #tpu.memory_space<vmem>> -> memref<32x1024xf32, #tpu.memory_space<vmem>>
    %dma_start3A_122 = arith.constant 0 : i32
    %dma_start3A_123 = tpu.memref_slice %arg4[%add3A_118, %dma_start3A_122] : memref<4096x1024xf32, #tpu.memory_space<hbm>> -> memref<32x1024xf32, #tpu.memory_space<hbm>>
    %dma_start3A_124 = arith.constant 0 : i32
    %dma_start3A_125 = tpu.memref_slice %arg4[%add3A_118, %dma_start3A_124] : memref<4096x1024xf32, #tpu.memory_space<hbm>> -> memref<32x1024xf32, #tpu.memory_space<hbm>>
    %dma_start3A_126 = arith.constant 0 : i32
    %dma_start3A_127 = arith.constant 0 : i32
    %dma_start3A_128 = tpu.memref_slice %arg8[%dma_start3A_126, %dma_start3A_127] : memref<32x1024xf32, #tpu.memory_space<vmem>> -> memref<32x1024xf32, #tpu.memory_space<vmem>>
    tpu.enqueue_dma source(%dma_start3A_128 : memref<32x1024xf32, #tpu.memory_space<vmem>>) target(%dma_start3A_125 : memref<32x1024xf32, #tpu.memory_space<hbm>>) target_semaphore(%arg14 : memref<!tpu.dma_semaphore, #tpu.memory_space<semaphore_mem>>)
    %dma_wait3A_129 = arith.constant 0 : i32
    %dma_wait3A_130 = arith.constant 0 : i32
    %dma_wait3A_131 = tpu.memref_slice %arg6[%dma_wait3A_129, %dma_wait3A_130] : memref<32x1024xf32, #tpu.memory_space<vmem>> -> memref<32x1024xf32, #tpu.memory_space<vmem>>
    %dma_wait3A_132 = arith.constant 96 : i32
    %dma_wait3A_133 = tpu.memref_slice %arg5[%dma_wait3A_132] : memref<128xi32, #tpu.memory_space<vmem>> -> memref<32xi32, #tpu.memory_space<vmem>>
    %dma_wait3A_134 = arith.constant 0 : i32
    %dma_wait3A_135 = arith.constant 0 : i32
    %dma_wait3A_136 = tpu.memref_slice %arg3[%dma_wait3A_134, %dma_wait3A_135] : memref<1000x1024xf32, #tpu.memory_space<hbm>> -> memref<1000x1024xf32, #tpu.memory_space<hbm>>
    tpu.wait_indirect_dma semaphore(%arg9 : memref<!tpu.dma_semaphore, #tpu.memory_space<semaphore_mem>>) src(%dma_wait3A_136 : memref<1000x1024xf32, #tpu.memory_space<hbm>>) dst(%dma_wait3A_131 : memref<32x1024xf32, #tpu.memory_space<vmem>>)
    %add3A_137 = arith.constant 96 : i32
    %add3A_138 = arith.addi %mul3A_2, %add3A_137 : i32
    %dma_start3A_139 = arith.constant 0 : i32
    %dma_start3A_140 = arith.constant 0 : i32
    %dma_start3A_141 = tpu.memref_slice %arg6[%dma_start3A_139, %dma_start3A_140] : memref<32x1024xf32, #tpu.memory_space<vmem>> -> memref<32x1024xf32, #tpu.memory_space<vmem>>
    %dma_start3A_142 = arith.constant 0 : i32
    %dma_start3A_143 = tpu.memref_slice %arg4[%add3A_138, %dma_start3A_142] : memref<4096x1024xf32, #tpu.memory_space<hbm>> -> memref<32x1024xf32, #tpu.memory_space<hbm>>
    %dma_start3A_144 = arith.constant 0 : i32
    %dma_start3A_145 = tpu.memref_slice %arg4[%add3A_138, %dma_start3A_144] : memref<4096x1024xf32, #tpu.memory_space<hbm>> -> memref<32x1024xf32, #tpu.memory_space<hbm>>
    %dma_start3A_146 = arith.constant 0 : i32
    %dma_start3A_147 = arith.constant 0 : i32
    %dma_start3A_148 = tpu.memref_slice %arg6[%dma_start3A_146, %dma_start3A_147] : memref<32x1024xf32, #tpu.memory_space<vmem>> -> memref<32x1024xf32, #tpu.memory_space<vmem>>
    tpu.enqueue_dma source(%dma_start3A_148 : memref<32x1024xf32, #tpu.memory_space<vmem>>) target(%dma_start3A_145 : memref<32x1024xf32, #tpu.memory_space<hbm>>) target_semaphore(%arg12 : memref<!tpu.dma_semaphore, #tpu.memory_space<semaphore_mem>>)
    %dma_wait3A_149 = arith.constant 0 : i32
    %dma_wait3A_150 = arith.constant 0 : i32
    %dma_wait3A_151 = tpu.memref_slice %arg7[%dma_wait3A_149, %dma_wait3A_150] : memref<32x1024xf32, #tpu.memory_space<vmem>> -> memref<32x1024xf32, #tpu.memory_space<vmem>>
    %dma_wait3A_152 = arith.constant 0 : i32
    %dma_wait3A_153 = tpu.memref_slice %arg4[%add3A_98, %dma_wait3A_152] : memref<4096x1024xf32, #tpu.memory_space<hbm>> -> memref<32x1024xf32, #tpu.memory_space<hbm>>
    %dma_wait3A_154 = arith.constant 0 : i32
    %dma_wait3A_155 = tpu.memref_slice %arg4[%add3A_98, %dma_wait3A_154] : memref<4096x1024xf32, #tpu.memory_space<hbm>> -> memref<32x1024xf32, #tpu.memory_space<hbm>>
    %dma_wait3A_156 = arith.constant 0 : i32
    %dma_wait3A_157 = arith.constant 0 : i32
    %dma_wait3A_158 = tpu.memref_slice %arg7[%dma_wait3A_156, %dma_wait3A_157] : memref<32x1024xf32, #tpu.memory_space<vmem>> -> memref<32x1024xf32, #tpu.memory_space<vmem>>
    tpu.wait_dma2 semaphore(%arg13 : memref<!tpu.dma_semaphore, #tpu.memory_space<semaphore_mem>>) src(%dma_wait3A_158 : memref<32x1024xf32, #tpu.memory_space<vmem>>) dst(%dma_wait3A_155 : memref<32x1024xf32, #tpu.memory_space<hbm>>)
    %dma_wait3A_159 = arith.constant 0 : i32
    %dma_wait3A_160 = arith.constant 0 : i32
    %dma_wait3A_161 = tpu.memref_slice %arg8[%dma_wait3A_159, %dma_wait3A_160] : memref<32x1024xf32, #tpu.memory_space<vmem>> -> memref<32x1024xf32, #tpu.memory_space<vmem>>
    %dma_wait3A_162 = arith.constant 0 : i32
    %dma_wait3A_163 = tpu.memref_slice %arg4[%add3A_118, %dma_wait3A_162] : memref<4096x1024xf32, #tpu.memory_space<hbm>> -> memref<32x1024xf32, #tpu.memory_space<hbm>>
    %dma_wait3A_164 = arith.constant 0 : i32
    %dma_wait3A_165 = tpu.memref_slice %arg4[%add3A_118, %dma_wait3A_164] : memref<4096x1024xf32, #tpu.memory_space<hbm>> -> memref<32x1024xf32, #tpu.memory_space<hbm>>
    %dma_wait3A_166 = arith.constant 0 : i32
    %dma_wait3A_167 = arith.constant 0 : i32
    %dma_wait3A_168 = tpu.memref_slice %arg8[%dma_wait3A_166, %dma_wait3A_167] : memref<32x1024xf32, #tpu.memory_space<vmem>> -> memref<32x1024xf32, #tpu.memory_space<vmem>>
    tpu.wait_dma2 semaphore(%arg14 : memref<!tpu.dma_semaphore, #tpu.memory_space<semaphore_mem>>) src(%dma_wait3A_168 : memref<32x1024xf32, #tpu.memory_space<vmem>>) dst(%dma_wait3A_165 : memref<32x1024xf32, #tpu.memory_space<hbm>>)
    %dma_wait3A_169 = arith.constant 0 : i32
    %dma_wait3A_170 = arith.constant 0 : i32
    %dma_wait3A_171 = tpu.memref_slice %arg6[%dma_wait3A_169, %dma_wait3A_170] : memref<32x1024xf32, #tpu.memory_space<vmem>> -> memref<32x1024xf32, #tpu.memory_space<vmem>>
    %dma_wait3A_172 = arith.constant 0 : i32
    %dma_wait3A_173 = tpu.memref_slice %arg4[%add3A_138, %dma_wait3A_172] : memref<4096x1024xf32, #tpu.memory_space<hbm>> -> memref<32x1024xf32, #tpu.memory_space<hbm>>
    %dma_wait3A_174 = arith.constant 0 : i32
    %dma_wait3A_175 = tpu.memref_slice %arg4[%add3A_138, %dma_wait3A_174] : memref<4096x1024xf32, #tpu.memory_space<hbm>> -> memref<32x1024xf32, #tpu.memory_space<hbm>>
    %dma_wait3A_176 = arith.constant 0 : i32
    %dma_wait3A_177 = arith.constant 0 : i32
    %dma_wait3A_178 = tpu.memref_slice %arg6[%dma_wait3A_176, %dma_wait3A_177] : memref<32x1024xf32, #tpu.memory_space<vmem>> -> memref<32x1024xf32, #tpu.memory_space<vmem>>
    tpu.wait_dma2 semaphore(%arg12 : memref<!tpu.dma_semaphore, #tpu.memory_space<semaphore_mem>>) src(%dma_wait3A_178 : memref<32x1024xf32, #tpu.memory_space<vmem>>) dst(%dma_wait3A_175 : memref<32x1024xf32, #tpu.memory_space<hbm>>)
    return
  }
}

</mosaic_0001>

<sc_bundles>
// kernel: kernel.3.cloned.1.call-start
scs
__scs_entry_jumppad:
0x0: {  	(pc) =	sbr.rel $0x88, $3  }
0x1: {  	(tag) =	ssettag $0x0;
	lr =	simm.s32 $0x1  }
0x2: {  	[smem:$0x3F9F] =	sst lr;
	_ =	strace $0xD0000000  }
0x3: {  	_ = 	snop  }
0x4: {  	_ = 	snop  }
0x5: {  	_ = 	snop  }
0x6: {  	_ = 	snop  }
0x7: {  	_ = 	snop  }
__scs_overlays_trampoline_lowered:
0x8: {  	[smem:$0x3FAE] =	sst s0  }
0x9: {  	[smem:$0x3FAF] =	sst s1  }
0xa: {  	[smem:$0x3FB0] =	sst s2  }
0xb: {  	[smem:$0x3FB1] =	sst s3  }
0xc: {  	[smem:$0x3FB2] =	sst s4  }
0xd: {  	[smem:$0x3FB3] =	sst s5  }
0xe: {  	[smem:$0x3FB4] =	sst s6  }
0xf: {  	[smem:$0x3FB5] =	sst s7  }
0x10: {  	[smem:$0x3FB6] =	sst s8  }
0x11: {  	[smem:$0x3FB7] =	sst s9;
	s0 =	simm.s32 @!p0 $0x0  }
0x12: {  	s1 =	sld [smem:$0x3F9D];
	s0 =	simm.s32 @p0 $0x1  }
0x13: {  	[smem:$0x3FB8] =	sst s0;
	s0 =	simm.s32 @!p1 $0x0  }
0x14: {  	s2 =	sld [smem:$0x3F9C];
	s0 =	simm.s32 @p1 $0x1  }
0x15: {  	[smem:$0x3FB9] =	sst s0;
	s0 =	simm.s32 @!p2 $0x0  }
0x16: {  	s3 =	sld [smem:$0x3FDB];
	s0 =	simm.s32 @p2 $0x1  }
0x17: {  	s4 =	simm.s32 $0x1BF5;
	[smem:$0x3FBB] =	sst s0  }
0x18: {  	s0 =	sld [smem:$0x3F9E];
	_ =	swait.ge [sflag:s4], $0x0  }
0x19: {  	s7 =	sld [smem:$0x3F9F]  }
0x1a: {  	s8 =	sadd.s32 $0xFFFFE003, lr  }
0x1b: {  	s9 =	sadd.s32 $0xFFFFFEF7, lr;
	s5 =	simm.s32 $0xFFFFFFFF;
	p2 =	slt.u32 s8, $0xFFFFF086  }
0x1c: {  	p1 =	slt.u32 s9, $0xF7A;
	s5 =	simm.s32 @!p2 $0x0  }
0x1d: {  	s5 =	simm.s32 @p1 $0x1;
	p0 =	seq.s32 s7, s2  }
0x1e: {  	s7 =	smul.u32 @!p0 $0xF7A, s2;
	p2 =	seq.s32 @!p0 s5, $0x0  }
0x1f: {  	s9 =	smul.u32 $0xF7A, s1;
	s8 =	simm.s32 @!p0 $0x1BF5;
	p2 =	por !p2, p0  }
0x20: {  	[sflag:s8] =	ssyncset.s32 @!p0 $0xFFFFF086;
	s6 =	sadd.s32 @!p0 s3, s7;
	s7 =	simm.s32 @!p0 $0x108  }
0x21: {  	s3 =	sadd.s32 s3, s9;
	s6 =	sadd.s32 @!p0 $0x88, s6;
	s7 =	simm.s32 @p2 $0x1082  }
0x22: {  	[simem:s7], [sflag:s8] =	dma.local @!p0 [hbm:s6], $0xF7A  }
0x23: {  	s9 =	sor.u32 $0xD0000000, s2;
	s6 =	simm.s32 $0x108;
	_ =	swait.ge @!p0 [sflag:s8], $0x0  }
0x24: {  	s3 =	sadd.s32 $0x88, s3;
	s6 =	simm.s32 @!p1 $0x1082;
	[sflag:s4] =	ssyncset.s32 $0xFFFFF086  }
0x25: {  	[simem:s6], [sflag:s4] =	dma.local [hbm:s3], $0xF7A  }
0x26: {  	[smem:$0x3F9F] =	sst s1;
	(tag) =	ssettag s2;
	_ =	strace s9  }
0x27: {  	s1 =	sld [smem:$0x3FAF]  }
0x28: {  	s2 =	sld [smem:$0x3FB0]  }
0x29: {  	s4 =	sld [smem:$0x3FB2]  }
0x2a: {  	p0 =	seq.s32 s5, $0x0;
	s5 =	sld [smem:$0x3FB3]  }
0x2b: {  	s6 =	sld [smem:$0x3FB4]  }
0x2c: {  	s7 =	sld [smem:$0x3FB5]  }
0x2d: {  	s3 =	simm.s32 $0x108;
	s8 =	sld [smem:$0x3FB6]  }
0x2e: {  	s3 =	simm.s32 @!p0 $0x1082;
	s9 =	sld [smem:$0x3FB7]  }
0x2f: {  	lr =	sadd.s32 s0, s3;
	s0 =	sld [smem:$0x3FAE]  }
0x30: {  	s3 =	sld [smem:$0x3FB1]  }
0x31: {  	[smem:$0x3FBA] =	sst s10  }
0x32: {  	s10 =	sld [smem:$0x3FB8];
	_ =	sdelay $0x3  }
0x33: {  	p0 =	seq.s32 s10, $0x1;
	s10 =	sld [smem:$0x3FBA];
	_ =	sdelay $0x3  }
0x34: {  	[smem:$0x3FBA] =	sst s10  }
0x35: {  	s10 =	sld [smem:$0x3FB9];
	_ =	sdelay $0x3  }
0x36: {  	p1 =	seq.s32 s10, $0x1;
	s10 =	sld [smem:$0x3FBA];
	_ =	sdelay $0x3  }
0x37: {  	[smem:$0x3FBA] =	sst s10  }
0x38: {  	s10 =	sld [smem:$0x3FBB]  }
0x39: {  	_ = 	snop;
	(pc) =	sbr.ind lr, $3  }
0x3a: {  	_ = 	snop  }
0x3b: {  	_ = 	snop  }
0x3c: {  	p2 =	seq.s32 s10, $0x1;
	s10 =	sld [smem:$0x3FBA]  }
0x3d: {  	_ =	shalt  }
0x3e: {  	_ =	shalt  }
0x3f: {  	_ =	shalt  }
0x40: {  	_ =	shalt  }
0x41: {  	_ =	shalt  }
0x42: {  	_ =	shalt  }
0x43: {  	_ =	shalt  }
0x44: {  	_ =	shalt  }
0x45: {  	_ =	shalt  }
0x46: {  	_ =	shalt  }
0x47: {  	_ =	shalt  }
0x48: {  	_ =	shalt  }
0x49: {  	_ =	shalt  }
0x4a: {  	_ =	shalt  }
0x4b: {  	_ =	shalt  }
0x4c: {  	_ =	shalt  }
0x4d: {  	_ =	shalt  }
0x4e: {  	_ =	shalt  }
0x4f: {  	_ =	shalt  }
0x50: {  	_ =	shalt  }
0x51: {  	_ =	shalt  }
0x52: {  	_ =	shalt  }
0x53: {  	_ =	shalt  }
0x54: {  	_ =	shalt  }
0x55: {  	_ =	shalt  }
0x56: {  	_ =	shalt  }
0x57: {  	_ =	shalt  }
0x58: {  	_ =	shalt  }
0x59: {  	_ =	shalt  }
0x5a: {  	_ =	shalt  }
0x5b: {  	_ =	shalt  }
0x5c: {  	_ =	shalt  }
0x5d: {  	_ =	shalt  }
0x5e: {  	_ =	shalt  }
0x5f: {  	_ =	shalt  }
0x60: {  	_ =	shalt  }
0x61: {  	_ =	shalt  }
0x62: {  	_ =	shalt  }
0x63: {  	_ =	shalt  }
0x64: {  	_ =	shalt  }
0x65: {  	_ =	shalt  }
0x66: {  	_ =	shalt  }
0x67: {  	_ =	shalt  }
0x68: {  	_ =	shalt  }
0x69: {  	_ =	shalt  }
0x6a: {  	_ =	shalt  }
0x6b: {  	_ =	shalt  }
0x6c: {  	_ =	shalt  }
0x6d: {  	_ =	shalt  }
0x6e: {  	_ =	shalt  }
0x6f: {  	_ =	shalt  }
0x70: {  	_ =	shalt  }
0x71: {  	_ =	shalt  }
0x72: {  	_ =	shalt  }
0x73: {  	_ =	shalt  }
0x74: {  	_ =	shalt  }
0x75: {  	_ =	shalt  }
0x76: {  	_ =	shalt  }
0x77: {  	_ =	shalt  }
0x78: {  	_ =	shalt  }
0x79: {  	_ =	shalt  }
0x7a: {  	_ =	shalt  }
0x7b: {  	_ =	shalt  }
0x7c: {  	_ =	shalt  }
0x7d: {  	_ =	shalt  }
0x7e: {  	_ =	shalt  }
0x7f: {  	_ =	shalt  }
0x80: {  	_ =	shalt  }
0x81: {  	_ =	shalt  }
0x82: {  	_ =	shalt  }
0x83: {  	_ =	shalt  }
0x84: {  	_ =	shalt  }
0x85: {  	_ =	shalt  }
0x86: {  	_ =	shalt  }
0x87: {  	_ =	shalt  }
.Lfunc_end0:
.L_simem_size_0:
called_computation_lowered:
.L_overlay_start_0:
0x88: {  	s2 =	sld [smem:$0x3FD9]  }
0x89: {  	s3 =	sld [smem:$0x3FFE];
	_ =	sdelay $0x1  }
0x8a: {  	s1 =	srdreg.scid  }
0x8b: {  	s0 =	sand.u32 $0x1, s1  }
0x8c: {  	s18 =	sshll.u32 s0, $0xA;
	s2 =	sadd.s32 s3, s2  }
0x8d: {  	s2 =	sadd.s32 s2, s18  }
0x8e: {  	[smem:$0x3FC6] =	sst s2  }
0x8f: {  	_ = 	snop  }
0x90: {  	s2 =	sld [smem:$0x3FC9]  }
0x91: {  	s19 =	sld [smem:$0x3FC8]  }
0x92: {  	s4 =	sld [smem:$0x3FD0];
	(tm) =	ssettm $0x1  }
0x93: {  	s5 =	sld [smem:$0x3FFB];
	_ =	sdelay $0x3  }
0x94: {  	_ =	strace s5  }
0x95: {  	s5 =	sld [smem:$0x3FFC];
	_ =	sdelay $0x3  }
0x96: {  	_ =	strace s5  }
0x97: {  	s5 =	sld [smem:$0x3FFD];
	_ =	sdelay $0x3  }
0x98: {  	_ =	strace s5  }
0x99: {  	_ =	strace $0x8FFFFFFF  }
0x9a: {  	s20 =	sld [smem:$0x3FDB];
	_ =	sdelay $0x1  }
0x9b: {  	s6 =	simm.s32 $_scs_section_size  }
0x9c: {  	s7 =	simm.s32 $_size__tile_overlayer_lowered;
	s8 =	simm.s32 $_tile_overlayer_lowered  }
0x9d: {  	s23 =	simm.s32 $0x1BFF;
	s22 =	sshll.u32 s8, $0x1;
	s5 =	sadd.s32 s6, s20  }
0x9e: {  	s9 =	simm.s32 $0x0;
	s21 =	sshll.u32 s7, $0x1;
	s7 =	sadd.s32 s22, s5  }
0x9f: {  	[timem:s9], [sflag:s23] =	dma.local [hbm:s7], s21  }
0xa0: {  	_ =	swait.ge [sflag:s23], s21  }
0xa1: {  	s6 =	ssub.s32 $0x0, s21;
	[sflag:s23] =	ssyncset.done $0x0  }
0xa2: {  	[sflag:s23] =	ssyncadd.s32 s6;
	_ =	sdelay $0x1  }
0xa3: {  	s24 =	simm.s32 $0x1B8B  }
0xa4: {  	_ =	swait.ge [sflag:s24], $0x1  }
0xa5: {  	[sflag:s24] =	ssyncset.done $0x0  }
0xa6: {  	s25 =	simm.s32 $0x1B8E;
	[sflag:s24] =	ssyncadd.s32 $0xFFFFFFFF  }
0xa7: {  	s26 =	simm.s32 $execute0_lowered;
	[smem:$0x3FD2] =	sst s25  }
0xa8: {  	s6 =	sshll.u32 s26, $0x1;
	_ =	strace $0x80000046;
	[dreg:$0x1] =	wrdreg $0xFFFFFFFF  }
0xa9: {  	s28 =	simm.s32 $_size_execute0_lowered;
	s5 =	sadd.s32 s5, s6;
	[dreg:$0x0] =	wrdreg $0x0  }
0xaa: {  	s6 =	sshll.u32 s28, $0x1;
	[dreg:$0x2] =	wrdreg s5  }
0xab: {  	[dreg:$0x3] =	wrdreg s6  }
0xac: {  	[dreg:$0x4] =	wrdreg $0xC0  }
0xad: {  	_ =	task [dreg:s9], $0x5FFFF  }
0xae: {  	[dreg:$0x1] =	wrdreg $0xFFFFFFFF  }
0xaf: {  	[dreg:$0x0] =	wrdreg $0x60  }
0xb0: {  	[dreg:$0x2] =	wrdreg s2  }
0xb1: {  	[dreg:$0x3] =	wrdreg s19  }
0xb2: {  	[dreg:$0x4] =	wrdreg s4  }
0xb3: {  	[dreg:$0x5] =	wrdreg $0x9  }
0xb4: {  	_ =	task.clear_ibuf [dreg:s9], $0x6FFFF;
	_ =	strace $0x90000046  }
0xb5: {  	s29 =	simm.s32 $0x9;
	_ =	strace $0x80000048  }
0xb6: {  	_ =	swait.ge [sflag:s29], $0x1  }
0xb7: {  	[sflag:s29] =	ssyncadd.s32 $0xFFFFFFFF  }
0xb8: {  	_ =	strace $0x90000048  }
0xb9: {  	_ =	sfence  }
0xba: {  	s30 =	sld [smem:$0x0];
	_ =	sdelay $0x2  }
0xbb: {  	s31 =	sshll.u32 s1, $0xD;
	s1 =	sshrl.u32 s1, $0x2  }
0xbc: {  	s3 =	sand.u32 $0x4000, s31;
	s1 =	sadd.s32 s1, s30  }
0xbd: {  	s0 =	sor.u32 s3, s0;
	s1 =	sshll.u32 s1, $0x11  }
0xbe: {  	s0 =	sor.u32 s1, s0  }
0xbf: {  	s0 =	sadd.s32 $0x8F2B, s0  }
0xc0: {  	[sflag:s0] =	ssyncadd.remote.s32 $0x1  }
0xc1: {  	_ =	sfence.sel $0xFFFF  }
0xc2: {  	[dreg:$0x0] =	wrdreg $0xFFFFFFFF;
	(pc) =	sbr.abs _section_cstart, $3  }
0xc3: {  	[dreg:$0x1] =	wrdreg $0xFFFFFFFF  }
0xc4: {  	_ =	task.clear_ibuf [dreg:s9], $0x2FFFF;
	_ =	strace $0x9FFFFFFF  }
0xc5: {  	(tm) =	ssettm $0x7FFFFFFF  }
tec
execute0_lowered:
.L_overlay_start_1:
0x0: {  	(tag) =	ssettag $0x1  }
0x1: {  	s0 =	rddreg [dreg:$0x0]  }
0x2: {  	s2 =	rddreg [dreg:$0x1];
	s3 =	stileid.u32  }
0x3: {  	s4 =	rddreg [dreg:$0x2];
	s5 =	sshll.u32 s3, $0x8;
	s3 =	simm.s32 $0x0  }
0x4: {  	s18 =	simm.s32 $0x20;
	[smem:$0x7FF] =	sst s3  }
0x5: {  	s19 =	simm.s32 $0x8880;
	_ =	strace $0x80000047;
	[dreg:$0x9] =	wrdreg s18  }
0x6: {  	s20 =	simm.s32 $0x9080;
	[dreg:$0xa] =	wrdreg s19  }
0x7: {  	s21 =	simm.s32 $0x9880;
	[dreg:$0xb] =	wrdreg s20  }
0x8: {  	s22 =	simm.s32 $0xA080;
	[dreg:$0xc] =	wrdreg s21  }
0x9: {  	s23 =	simm.s32 $0xA880;
	[dreg:$0xd] =	wrdreg s22  }
0xa: {  	s24 =	simm.s32 $0xB080;
	[dreg:$0xe] =	wrdreg s23  }
0xb: {  	s25 =	simm.s32 $0xB880;
	[dreg:$0xf] =	wrdreg s24  }
0xc: {  	s26 =	simm.s32 $0xC080;
	[dreg:$0x10] =	wrdreg s25  }
0xd: {  	s8 =	simm.s32 $0xE080;
	[dreg:$0x11] =	wrdreg s26  }
0xe: {  	s9 =	simm.s32 $0xE880;
	[dreg:$0x15] =	wrdreg s8  }
0xf: {  	s1 =	srdreg.scid;
	s10 =	simm.s32 $0xF080;
	[dreg:$0x16] =	wrdreg s9  }
0x10: {  	s11 =	simm.s32 $0xF880;
	s12 =	simm.s32 $0x10880;
	[dreg:$0x17] =	wrdreg s10  }
0x11: {  	s30 =	simm.s32 $0x1;
	s31 =	simm.s32 $0x4;
	[dreg:$0x18] =	wrdreg s11  }
0x12: {  	s28 =	simm.s32 $0x6880;
	[dreg:$0x19] =	wrdreg s12;
	s18 =	simm.s32 $0x13880  }
0x13: {  	s29 =	simm.s32 $0x7080;
	s19 =	simm.s32 $0x14080;
	[dreg:$0x1f] =	wrdreg s18  }
0x14: {  	s1 =	sand.u32 $0x1, s1;
	s20 =	simm.s32 $0x14880;
	[smem:$0x7F6] =	sst s19  }
0x15: {  	s6 =	sshll.u32 s1, $0x7;
	s21 =	simm.s32 $0x15080;
	[smem:$0x7F7] =	sst s20  }
0x16: {  	s1 =	ssub.s32 $0x2, s1;
	s22 =	simm.s32 $0x15880;
	[smem:$0x7F8] =	sst s21  }
0x17: {  	s5 =	sor.u32 s6, s5;
	s23 =	simm.s32 $0x16080;
	[smem:$0x7F9] =	sst s22  }
0x18: {  	s10 =	simm.s32 $0x80;
	s24 =	simm.s32 $0x16880;
	[smem:$0x7FA] =	sst s23  }
0x19: {  	s25 =	simm.s32 $0x17080;
	s26 =	simm.s32 $0x17880;
	[smem:$0x7FB] =	sst s24  }
0x1a: {  	s11 =	simm.s32 $0x6;
	s6 =	sshrl.u32 s5, $0x3;
	[smem:$0x7FC] =	sst s25  }
0x1b: {  	s7 =	sor.u32 $0x20, s5;
	s5 =	sshll.u32 s5, $0x7;
	[smem:$0x7FD] =	sst s26  }
0x1c: {  	s18 =	simm.s32 $0x2880;
	s19 =	simm.s32 $0x3080;
	s20 =	simm.s32 $0x3880  }
0x1d: {  	s21 =	simm.s32 $0x4080;
	s22 =	simm.s32 $0x4880;
	s6 =	sadd.s32 s0, s6  }
0x1e: {  	s13 =	sshrl.u32 s7, $0x3;
	s5 =	sadd.s32 s4, s5;
	[dreg:$0x4] =	wrdreg s6  }
0x1f: {  	s14 =	sshll.u32 s7, $0x7;
	s7 =	simm.s32 $0xD880;
	[smem:$0x7F5] =	sst s5  }
0x20: {  	s23 =	simm.s32 $0x5080;
	s0 =	sadd.s32 s0, s13;
	[dreg:$0x14] =	wrdreg s7  }
0x21: {  	s24 =	simm.s32 $0x5880;
	s15 =	sadd.s32 s4, s14;
	[dreg:$0x5] =	wrdreg s0  }
0x22: {  	s25 =	simm.s32 $0x6080;
	s16 =	sadd.s32 $0x2000, s5;
	[dreg:$0x6] =	wrdreg s15  }
0x23: {  	s26 =	simm.s32 $0x8080;
	s17 =	sadd.s32 $0x3000, s5;
	[dreg:$0x7] =	wrdreg s16  }
0x24: {  	s4 =	simm.s32 $0xC880;
	s5 =	sshrl.u32 s1, $0x1;
	[dreg:$0x8] =	wrdreg s17  }
0x25: {  	s6 =	simm.s32 $0xD080;
	s7 =	sadd.s32 $0x300, s2;
	[dreg:$0x12] =	wrdreg s4  }
0x26: {  	s13 =	simm.s32 $0x11080;
	s14 =	simm.s32 $0x11880;
	[dreg:$0x13] =	wrdreg s6  }
0x27: {  	s1 =	ssub.s32 s1, s5;
	s5 =	sadd.s32 $0x100, s2;
	[dreg:$0x1a] =	wrdreg s13  }
0x28: {  	s6 =	sadd.s32 $0x200, s2;
	[dreg:$0x1b] =	wrdreg s14;
	s15 =	simm.s32 $0x12080  }
0x29: {  	s16 =	simm.s32 $0x12880;
	s17 =	simm.s32 $0x13080;
	[dreg:$0x1c] =	wrdreg s15  }
0x2a: {  	v2 =	vlaneseq.u32;
	s0 =	simm.s32 $0x3;
	s4 =	simm.s32 $0x5;
	[dreg:$0x1d] =	wrdreg s16  }
0x2b: {  	vm0 =	vmmov $0xffff;
	v1 =	vshrl.u32 v2, $0x3;
	s8 =	smax.u32 s1, $0x1;
	[dreg:$0x1e] =	wrdreg s17;
	s15 =	simm.s32 $0x1080  }
0x2c: {  	v0 =	vand.u32 $0x7, v2;
	v2 =	vor.u32 $0x8, v2;
	v1 =	vmul.u32 $0x8, v1;
	s16 =	simm.s32 $0x1880;
	s17 =	simm.s32 $0x2080;
	s1 =	simm.s32 $0x10080  }
.LBB2_1:
0x2d: {  	s12 =	rddreg [dreg:$0x4]  }
0x2e: {  	s13 =	rddreg [dreg:$0x5]  }
0x2f: {  	[tilespmem:s3], [sflag:$0x7] =	stream.linear.gather [hbm4b:s12+s3], $0x20, $0x38;
	[tilespmem:$0x18080] =	vst v63  }
0x30: {  	s14 =	rddreg [dreg:$0x9];
	s9 =	simm.s32 $0x7  }
0x31: {  	[tilespmem:s14], [sflag:$0x8] =	stream.linear.gather [hbm4b:s13+s3], $0x60, $0x38;
	[tilespmem:$0x18080] =	vst v63  }
0x32: {  	_ =	swait.ge [sflag:s9], $0x20  }
0x33: {  	[sflag:s9] =	ssyncset.done $0x0  }
0x34: {  	[sflag:s9] =	ssyncadd.s32 $0xFFFFFFE0  }
0x35: {  	v3 =	vld [tilespmem:$0x0];
	_ =	sdelay $0x4  }
0x36: {  	v4 =	vshll.u32 v3, $0x3  }
0x37: {  	v3 =	vand.u32 $0x7, v3;
	v4 =	vand.u32 $0xFFFFFFC0, v4  }
0x38: {  	v3 =	vor.u32 v3, v4  }
0x39: {  	v4 =	vperm.xlane v3, v0;
	_ =	sdelay $0x1  }
0x3a: {  	v4 =	vadd.s32 v1, v4;
	_ =	sdelay $0x4  }
0x3b: {  	[tilespmem:s10], [sflag:$0x1] =	stream.indirect_vreg.gather [hbm4b:s2+s3], $0x80, v4, vm0, $0xb8;
	[tilespmem:$0x18080] =	vst v63  }
0x3c: {  	s14 =	simm.s32 $0x880;
	v3 =	vperm.xlane v3, v2  }
0x3d: {  	[tilespmem:s14], [sflag:$0x1] =	stream.indirect_vreg.gather [hbm4b:s5+s3], $0x80, v4, vm0, $0xb8;
	[tilespmem:$0x18080] =	vst v63  }
0x3e: {  	v3 =	vadd.s32 v1, v3  }
0x3f: {  	[tilespmem:s15], [sflag:$0x1] =	stream.indirect_vreg.gather [hbm4b:s6+s3], $0x80, v4, vm0, $0xb8;
	[tilespmem:$0x18080] =	vst v63  }
0x40: {  	_ = 	snop  }
0x41: {  	[tilespmem:s16], [sflag:$0x1] =	stream.indirect_vreg.gather [hbm4b:s7+s3], $0x80, v4, vm0, $0xb8;
	[tilespmem:$0x18080] =	vst v63  }
0x42: {  	_ = 	snop  }
0x43: {  	[tilespmem:s17], [sflag:$0x1] =	stream.indirect_vreg.gather [hbm4b:s2+s3], $0x80, v3, vm0, $0xb8;
	[tilespmem:$0x18080] =	vst v63  }
0x44: {  	_ = 	snop  }
0x45: {  	[tilespmem:s18], [sflag:$0x1] =	stream.indirect_vreg.gather [hbm4b:s5+s3], $0x80, v3, vm0, $0xb8;
	[tilespmem:$0x18080] =	vst v63  }
0x46: {  	_ = 	snop  }
0x47: {  	[tilespmem:s19], [sflag:$0x1] =	stream.indirect_vreg.gather [hbm4b:s6+s3], $0x80, v3, vm0, $0xb8;
	[tilespmem:$0x18080] =	vst v63  }
0x48: {  	_ = 	snop  }
0x49: {  	[tilespmem:s20], [sflag:$0x1] =	stream.indirect_vreg.gather [hbm4b:s7+s3], $0x80, v3, vm0, $0xb8;
	[tilespmem:$0x18080] =	vst v63  }
0x4a: {  	v3 =	vld [tilespmem:$0x10];
	_ =	sdelay $0x4  }
0x4b: {  	v57 =	vshll.u32 v3, $0x3  }
0x4c: {  	v3 =	vand.u32 $0x7, v3;
	v4 =	vand.u32 $0xFFFFFFC0, v57  }
0x4d: {  	v3 =	vor.u32 v3, v4  }
0x4e: {  	v4 =	vperm.xlane v3, v0;
	_ =	sdelay $0x1  }
0x4f: {  	v4 =	vadd.s32 v1, v4;
	_ =	sdelay $0x4  }
0x50: {  	[tilespmem:s21], [sflag:$0x1] =	stream.indirect_vreg.gather [hbm4b:s2+s3], $0x80, v4, vm0, $0xb8;
	[tilespmem:$0x18080] =	vst v63  }
0x51: {  	v3 =	vperm.xlane v3, v2  }
0x52: {  	[tilespmem:s22], [sflag:$0x1] =	stream.indirect_vreg.gather [hbm4b:s5+s3], $0x80, v4, vm0, $0xb8;
	[tilespmem:$0x18080] =	vst v63  }
0x53: {  	v3 =	vadd.s32 v1, v3  }
0x54: {  	[tilespmem:s23], [sflag:$0x1] =	stream.indirect_vreg.gather [hbm4b:s6+s3], $0x80, v4, vm0, $0xb8;
	[tilespmem:$0x18080] =	vst v63  }
0x55: {  	_ = 	snop  }
0x56: {  	[tilespmem:s24], [sflag:$0x1] =	stream.indirect_vreg.gather [hbm4b:s7+s3], $0x80, v4, vm0, $0xb8;
	[tilespmem:$0x18080] =	vst v63  }
0x57: {  	_ = 	snop  }
0x58: {  	[tilespmem:s25], [sflag:$0x1] =	stream.indirect_vreg.gather [hbm4b:s2+s3], $0x80, v3, vm0, $0xb8;
	[tilespmem:$0x18080] =	vst v63  }
0x59: {  	_ = 	snop  }
0x5a: {  	[tilespmem:s28], [sflag:$0x1] =	stream.indirect_vreg.gather [hbm4b:s5+s3], $0x80, v3, vm0, $0xb8;
	[tilespmem:$0x18080] =	vst v63  }
0x5b: {  	_ = 	snop  }
0x5c: {  	[tilespmem:s29], [sflag:$0x1] =	stream.indirect_vreg.gather [hbm4b:s6+s3], $0x80, v3, vm0, $0xb8;
	[tilespmem:$0x18080] =	vst v63  }
0x5d: {  	s13 =	simm.s32 $0x8;
	s9 =	simm.s32 $0x7880  }
0x5e: {  	[tilespmem:s9], [sflag:$0x1] =	stream.indirect_vreg.gather [hbm4b:s7+s3], $0x80, v3, vm0, $0xb8;
	[tilespmem:$0x18080] =	vst v63  }
0x5f: {  	_ =	swait.ge [sflag:s13], $0x60  }
0x60: {  	[sflag:s13] =	ssyncset.done $0x0  }
0x61: {  	[sflag:s13] =	ssyncadd.s32 $0xFFFFFFA0  }
0x62: {  	v3 =	vld [tilespmem:$0x20];
	_ =	sdelay $0x4  }
0x63: {  	v58 =	vshll.u32 v3, $0x3  }
0x64: {  	v3 =	vand.u32 $0x7, v3;
	v4 =	vand.u32 $0xFFFFFFC0, v58  }
0x65: {  	v3 =	vor.u32 v3, v4  }
0x66: {  	v4 =	vperm.xlane v3, v0;
	_ =	sdelay $0x1  }
0x67: {  	v4 =	vadd.s32 v1, v4;
	_ =	sdelay $0x4  }
0x68: {  	[tilespmem:s26], [sflag:$0x2] =	stream.indirect_vreg.gather [hbm4b:s2+s3], $0x80, v4, vm0, $0xb8;
	[tilespmem:$0x18080] =	vst v63  }
0x69: {  	s12 =	rddreg [dreg:$0xa];
	v3 =	vperm.xlane v3, v2  }
0x6a: {  	[tilespmem:s12], [sflag:$0x2] =	stream.indirect_vreg.gather [hbm4b:s5+s3], $0x80, v4, vm0, $0xb8;
	[tilespmem:$0x18080] =	vst v63  }
0x6b: {  	s13 =	rddreg [dreg:$0xb];
	v3 =	vadd.s32 v1, v3  }
0x6c: {  	[tilespmem:s13], [sflag:$0x2] =	stream.indirect_vreg.gather [hbm4b:s6+s3], $0x80, v4, vm0, $0xb8;
	[tilespmem:$0x18080] =	vst v63  }
0x6d: {  	s12 =	rddreg [dreg:$0xc]  }
0x6e: {  	[tilespmem:s12], [sflag:$0x2] =	stream.indirect_vreg.gather [hbm4b:s7+s3], $0x80, v4, vm0, $0xb8;
	[tilespmem:$0x18080] =	vst v63  }
0x6f: {  	s13 =	rddreg [dreg:$0xd]  }
0x70: {  	[tilespmem:s13], [sflag:$0x2] =	stream.indirect_vreg.gather [hbm4b:s2+s3], $0x80, v3, vm0, $0xb8;
	[tilespmem:$0x18080] =	vst v63  }
0x71: {  	s12 =	rddreg [dreg:$0xe]  }
0x72: {  	[tilespmem:s12], [sflag:$0x2] =	stream.indirect_vreg.gather [hbm4b:s5+s3], $0x80, v3, vm0, $0xb8;
	[tilespmem:$0x18080] =	vst v63  }
0x73: {  	s13 =	rddreg [dreg:$0xf]  }
0x74: {  	[tilespmem:s13], [sflag:$0x2] =	stream.indirect_vreg.gather [hbm4b:s6+s3], $0x80, v3, vm0, $0xb8;
	[tilespmem:$0x18080] =	vst v63  }
0x75: {  	s12 =	rddreg [dreg:$0x10]  }
0x76: {  	[tilespmem:s12], [sflag:$0x2] =	stream.indirect_vreg.gather [hbm4b:s7+s3], $0x80, v3, vm0, $0xb8;
	[tilespmem:$0x18080] =	vst v63  }
0x77: {  	v3 =	vld [tilespmem:$0x30];
	_ =	sdelay $0x4  }
0x78: {  	v59 =	vshll.u32 v3, $0x3  }
0x79: {  	v3 =	vand.u32 $0x7, v3;
	v4 =	vand.u32 $0xFFFFFFC0, v59  }
0x7a: {  	v3 =	vor.u32 v3, v4  }
0x7b: {  	v4 =	vperm.xlane v3, v0;
	_ =	sdelay $0x1  }
0x7c: {  	v4 =	vadd.s32 v1, v4;
	_ =	sdelay $0x3  }
0x7d: {  	s12 =	rddreg [dreg:$0x11]  }
0x7e: {  	[tilespmem:s12], [sflag:$0x2] =	stream.indirect_vreg.gather [hbm4b:s2+s3], $0x80, v4, vm0, $0xb8;
	[tilespmem:$0x18080] =	vst v63  }
0x7f: {  	s13 =	rddreg [dreg:$0x12];
	v3 =	vperm.xlane v3, v2  }
0x80: {  	[tilespmem:s13], [sflag:$0x2] =	stream.indirect_vreg.gather [hbm4b:s5+s3], $0x80, v4, vm0, $0xb8;
	[tilespmem:$0x18080] =	vst v63  }
0x81: {  	v3 =	vadd.s32 v1, v3;
	s12 =	rddreg [dreg:$0x13]  }
0x82: {  	[tilespmem:s12], [sflag:$0x2] =	stream.indirect_vreg.gather [hbm4b:s6+s3], $0x80, v4, vm0, $0xb8;
	[tilespmem:$0x18080] =	vst v63  }
0x83: {  	s13 =	rddreg [dreg:$0x14]  }
0x84: {  	[tilespmem:s13], [sflag:$0x2] =	stream.indirect_vreg.gather [hbm4b:s7+s3], $0x80, v4, vm0, $0xb8;
	[tilespmem:$0x18080] =	vst v63  }
0x85: {  	s12 =	rddreg [dreg:$0x15]  }
0x86: {  	[tilespmem:s12], [sflag:$0x2] =	stream.indirect_vreg.gather [hbm4b:s2+s3], $0x80, v3, vm0, $0xb8;
	[tilespmem:$0x18080] =	vst v63  }
0x87: {  	s13 =	rddreg [dreg:$0x16]  }
0x88: {  	[tilespmem:s13], [sflag:$0x2] =	stream.indirect_vreg.gather [hbm4b:s5+s3], $0x80, v3, vm0, $0xb8;
	[tilespmem:$0x18080] =	vst v63  }
0x89: {  	s12 =	rddreg [dreg:$0x17]  }
0x8a: {  	[tilespmem:s12], [sflag:$0x2] =	stream.indirect_vreg.gather [hbm4b:s6+s3], $0x80, v3, vm0, $0xb8;
	[tilespmem:$0x18080] =	vst v63  }
0x8b: {  	s13 =	rddreg [dreg:$0x18]  }
0x8c: {  	[tilespmem:s13], [sflag:$0x2] =	stream.indirect_vreg.gather [hbm4b:s7+s3], $0x80, v3, vm0, $0xb8;
	[tilespmem:$0x18080] =	vst v63  }
0x8d: {  	v3 =	vld [tilespmem:$0x40];
	_ =	sdelay $0x4  }
0x8e: {  	v60 =	vshll.u32 v3, $0x3  }
0x8f: {  	v3 =	vand.u32 $0x7, v3;
	v4 =	vand.u32 $0xFFFFFFC0, v60  }
0x90: {  	v3 =	vor.u32 v3, v4  }
0x91: {  	v4 =	vperm.xlane v3, v0;
	_ =	sdelay $0x1  }
0x92: {  	v4 =	vadd.s32 v1, v4;
	_ =	sdelay $0x4  }
0x93: {  	[tilespmem:s1], [sflag:$0x3] =	stream.indirect_vreg.gather [hbm4b:s2+s3], $0x80, v4, vm0, $0xb8;
	[tilespmem:$0x18080] =	vst v63  }
0x94: {  	s12 =	rddreg [dreg:$0x19];
	v3 =	vperm.xlane v3, v2  }
0x95: {  	[tilespmem:s12], [sflag:$0x3] =	stream.indirect_vreg.gather [hbm4b:s5+s3], $0x80, v4, vm0, $0xb8;
	[tilespmem:$0x18080] =	vst v63  }
0x96: {  	s13 =	rddreg [dreg:$0x1a];
	v3 =	vadd.s32 v1, v3  }
0x97: {  	[tilespmem:s13], [sflag:$0x3] =	stream.indirect_vreg.gather [hbm4b:s6+s3], $0x80, v4, vm0, $0xb8;
	[tilespmem:$0x18080] =	vst v63  }
0x98: {  	s12 =	rddreg [dreg:$0x1b]  }
0x99: {  	[tilespmem:s12], [sflag:$0x3] =	stream.indirect_vreg.gather [hbm4b:s7+s3], $0x80, v4, vm0, $0xb8;
	[tilespmem:$0x18080] =	vst v63  }
0x9a: {  	s13 =	rddreg [dreg:$0x1c]  }
0x9b: {  	[tilespmem:s13], [sflag:$0x3] =	stream.indirect_vreg.gather [hbm4b:s2+s3], $0x80, v3, vm0, $0xb8;
	[tilespmem:$0x18080] =	vst v63  }
0x9c: {  	s12 =	rddreg [dreg:$0x1d]  }
0x9d: {  	[tilespmem:s12], [sflag:$0x3] =	stream.indirect_vreg.gather [hbm4b:s5+s3], $0x80, v3, vm0, $0xb8;
	[tilespmem:$0x18080] =	vst v63  }
0x9e: {  	s13 =	rddreg [dreg:$0x1e]  }
0x9f: {  	[tilespmem:s13], [sflag:$0x3] =	stream.indirect_vreg.gather [hbm4b:s6+s3], $0x80, v3, vm0, $0xb8;
	[tilespmem:$0x18080] =	vst v63  }
0xa0: {  	s12 =	rddreg [dreg:$0x1f]  }
0xa1: {  	[tilespmem:s12], [sflag:$0x3] =	stream.indirect_vreg.gather [hbm4b:s7+s3], $0x80, v3, vm0, $0xb8;
	[tilespmem:$0x18080] =	vst v63  }
0xa2: {  	v3 =	vld [tilespmem:$0x50];
	_ =	sdelay $0x4  }
0xa3: {  	v61 =	vshll.u32 v3, $0x3  }
0xa4: {  	v3 =	vand.u32 $0x7, v3;
	v4 =	vand.u32 $0xFFFFFFC0, v61  }
0xa5: {  	v3 =	vor.u32 v3, v4  }
0xa6: {  	v4 =	vperm.xlane v3, v0;
	_ =	sdelay $0x1  }
0xa7: {  	v4 =	vadd.s32 v1, v4;
	_ =	sdelay $0x1  }
0xa8: {  	s12 =	sld [smem:$0x7F6];
	_ =	sdelay $0x1  }
0xa9: {  	s13 =	sld [smem:$0x7F7]  }
0xaa: {  	[tilespmem:s12], [sflag:$0x3] =	stream.indirect_vreg.gather [hbm4b:s2+s3], $0x80, v4, vm0, $0xb8;
	[tilespmem:$0x18080] =	vst v63  }
0xab: {  	v3 =	vperm.xlane v3, v2;
	s12 =	sld [smem:$0x7F8]  }
0xac: {  	[tilespmem:s13], [sflag:$0x3] =	stream.indirect_vreg.gather [hbm4b:s5+s3], $0x80, v4, vm0, $0xb8;
	[tilespmem:$0x18080] =	vst v63  }
0xad: {  	v3 =	vadd.s32 v1, v3;
	s13 =	sld [smem:$0x7F9]  }
0xae: {  	[tilespmem:s12], [sflag:$0x3] =	stream.indirect_vreg.gather [hbm4b:s6+s3], $0x80, v4, vm0, $0xb8;
	[tilespmem:$0x18080] =	vst v63  }
0xaf: {  	s12 =	sld [smem:$0x7FA]  }
0xb0: {  	[tilespmem:s13], [sflag:$0x3] =	stream.indirect_vreg.gather [hbm4b:s7+s3], $0x80, v4, vm0, $0xb8;
	[tilespmem:$0x18080] =	vst v63  }
0xb1: {  	s13 =	sld [smem:$0x7FB]  }
0xb2: {  	[tilespmem:s12], [sflag:$0x3] =	stream.indirect_vreg.gather [hbm4b:s2+s3], $0x80, v3, vm0, $0xb8;
	[tilespmem:$0x18080] =	vst v63  }
0xb3: {  	s12 =	sld [smem:$0x7FC]  }
0xb4: {  	[tilespmem:s13], [sflag:$0x3] =	stream.indirect_vreg.gather [hbm4b:s5+s3], $0x80, v3, vm0, $0xb8;
	[tilespmem:$0x18080] =	vst v63  }
0xb5: {  	s13 =	sld [smem:$0x7FD]  }
0xb6: {  	[tilespmem:s12], [sflag:$0x3] =	stream.indirect_vreg.gather [hbm4b:s6+s3], $0x80, v3, vm0, $0xb8;
	[tilespmem:$0x18080] =	vst v63  }
0xb7: {  	_ = 	snop  }
0xb8: {  	[tilespmem:s13], [sflag:$0x3] =	stream.indirect_vreg.gather [hbm4b:s7+s3], $0x80, v3, vm0, $0xb8;
	[tilespmem:$0x18080] =	vst v63  }
0xb9: {  	_ =	swait.ge [sflag:s30], $0x8000  }
0xba: {  	s13 =	sld [smem:$0x7F5]  }
0xbb: {  	[sflag:s30] =	ssyncset.done $0x0  }
0xbc: {  	[sflag:s30] =	ssyncadd.s32 $0xFFFF8000  }
0xbd: {  	[hbm4b:s13+s3] =	stream.linear.scatter [tilespmem:s10], [sflag:$0x4], $0x8000, $0x38;
	[tilespmem:$0x18080] =	vst v63  }
0xbe: {  	_ =	swait.ge [sflag:s31], $0x8000  }
0xbf: {  	[sflag:s31] =	ssyncset.done $0x0  }
0xc0: {  	[sflag:s31] =	ssyncadd.s32 $0xFFFF8000  }
0xc1: {  	v3 =	vld [tilespmem:$0x60];
	_ =	sdelay $0x4  }
0xc2: {  	v62 =	vshll.u32 v3, $0x3  }
0xc3: {  	v3 =	vand.u32 $0x7, v3;
	v4 =	vand.u32 $0xFFFFFFC0, v62  }
0xc4: {  	v3 =	vor.u32 v3, v4  }
0xc5: {  	v4 =	vperm.xlane v3, v0;
	_ =	sdelay $0x1  }
0xc6: {  	v4 =	vadd.s32 v1, v4;
	_ =	sdelay $0x4  }
0xc7: {  	[tilespmem:s10], [sflag:$0x1] =	stream.indirect_vreg.gather [hbm4b:s2+s3], $0x80, v4, vm0, $0xb8;
	[tilespmem:$0x18080] =	vst v63  }
0xc8: {  	v3 =	vperm.xlane v3, v2  }
0xc9: {  	[tilespmem:s14], [sflag:$0x1] =	stream.indirect_vreg.gather [hbm4b:s5+s3], $0x80, v4, vm0, $0xb8;
	[tilespmem:$0x18080] =	vst v63  }
0xca: {  	v3 =	vadd.s32 v1, v3  }
0xcb: {  	[tilespmem:s15], [sflag:$0x1] =	stream.indirect_vreg.gather [hbm4b:s6+s3], $0x80, v4, vm0, $0xb8;
	[tilespmem:$0x18080] =	vst v63  }
0xcc: {  	_ = 	snop  }
0xcd: {  	[tilespmem:s16], [sflag:$0x1] =	stream.indirect_vreg.gather [hbm4b:s7+s3], $0x80, v4, vm0, $0xb8;
	[tilespmem:$0x18080] =	vst v63  }
0xce: {  	_ = 	snop  }
0xcf: {  	[tilespmem:s17], [sflag:$0x1] =	stream.indirect_vreg.gather [hbm4b:s2+s3], $0x80, v3, vm0, $0xb8;
	[tilespmem:$0x18080] =	vst v63  }
0xd0: {  	_ = 	snop  }
0xd1: {  	[tilespmem:s18], [sflag:$0x1] =	stream.indirect_vreg.gather [hbm4b:s5+s3], $0x80, v3, vm0, $0xb8;
	[tilespmem:$0x18080] =	vst v63  }
0xd2: {  	_ = 	snop  }
0xd3: {  	[tilespmem:s19], [sflag:$0x1] =	stream.indirect_vreg.gather [hbm4b:s6+s3], $0x80, v3, vm0, $0xb8;
	[tilespmem:$0x18080] =	vst v63  }
0xd4: {  	_ = 	snop  }
0xd5: {  	[tilespmem:s20], [sflag:$0x1] =	stream.indirect_vreg.gather [hbm4b:s7+s3], $0x80, v3, vm0, $0xb8;
	[tilespmem:$0x18080] =	vst v63  }
0xd6: {  	v3 =	vld [tilespmem:$0x70];
	_ =	sdelay $0x4  }
0xd7: {  	v63 =	vshll.u32 v3, $0x3  }
0xd8: {  	v3 =	vand.u32 $0x7, v3;
	v4 =	vand.u32 $0xFFFFFFC0, v63  }
0xd9: {  	v3 =	vor.u32 v3, v4  }
0xda: {  	v4 =	vperm.xlane v3, v0;
	_ =	sdelay $0x1  }
0xdb: {  	v4 =	vadd.s32 v1, v4;
	_ =	sdelay $0x4  }
0xdc: {  	[tilespmem:s21], [sflag:$0x1] =	stream.indirect_vreg.gather [hbm4b:s2+s3], $0x80, v4, vm0, $0xb8;
	[tilespmem:$0x18080] =	vst v63  }
0xdd: {  	v3 =	vperm.xlane v3, v2  }
0xde: {  	[tilespmem:s22], [sflag:$0x1] =	stream.indirect_vreg.gather [hbm4b:s5+s3], $0x80, v4, vm0, $0xb8;
	[tilespmem:$0x18080] =	vst v63  }
0xdf: {  	v3 =	vadd.s32 v1, v3  }
0xe0: {  	[tilespmem:s23], [sflag:$0x1] =	stream.indirect_vreg.gather [hbm4b:s6+s3], $0x80, v4, vm0, $0xb8;
	[tilespmem:$0x18080] =	vst v63  }
0xe1: {  	_ = 	snop  }
0xe2: {  	[tilespmem:s24], [sflag:$0x1] =	stream.indirect_vreg.gather [hbm4b:s7+s3], $0x80, v4, vm0, $0xb8;
	[tilespmem:$0x18080] =	vst v63  }
0xe3: {  	_ = 	snop  }
0xe4: {  	[tilespmem:s25], [sflag:$0x1] =	stream.indirect_vreg.gather [hbm4b:s2+s3], $0x80, v3, vm0, $0xb8;
	[tilespmem:$0x18080] =	vst v63  }
0xe5: {  	_ = 	snop  }
0xe6: {  	[tilespmem:s28], [sflag:$0x1] =	stream.indirect_vreg.gather [hbm4b:s5+s3], $0x80, v3, vm0, $0xb8;
	[tilespmem:$0x18080] =	vst v63  }
0xe7: {  	_ = 	snop  }
0xe8: {  	[tilespmem:s29], [sflag:$0x1] =	stream.indirect_vreg.gather [hbm4b:s6+s3], $0x80, v3, vm0, $0xb8;
	[tilespmem:$0x18080] =	vst v63  }
0xe9: {  	s13 =	simm.s32 $0x2  }
0xea: {  	[tilespmem:s9], [sflag:$0x1] =	stream.indirect_vreg.gather [hbm4b:s7+s3], $0x80, v3, vm0, $0xb8;
	[tilespmem:$0x18080] =	vst v63  }
0xeb: {  	_ =	swait.ge [sflag:s13], $0x8000  }
0xec: {  	[sflag:s13] =	ssyncset.done $0x0  }
0xed: {  	s14 =	rddreg [dreg:$0x6];
	[sflag:s13] =	ssyncadd.s32 $0xFFFF8000  }
0xee: {  	[hbm4b:s14+s3] =	stream.linear.scatter [tilespmem:s26], [sflag:$0x5], $0x8000, $0x38;
	[tilespmem:$0x18080] =	vst v63  }
0xef: {  	_ =	swait.ge [sflag:s0], $0x8000  }
0xf0: {  	[sflag:s0] =	ssyncset.done $0x0  }
0xf1: {  	s13 =	rddreg [dreg:$0x7];
	[sflag:s0] =	ssyncadd.s32 $0xFFFF8000  }
0xf2: {  	[hbm4b:s13+s3] =	stream.linear.scatter [tilespmem:s1], [sflag:$0x6], $0x8000, $0x38;
	[tilespmem:$0x18080] =	vst v63  }
0xf3: {  	_ =	swait.ge [sflag:s30], $0x8000  }
0xf4: {  	[sflag:s30] =	ssyncset.done $0x0  }
0xf5: {  	s14 =	rddreg [dreg:$0x8];
	[sflag:s30] =	ssyncadd.s32 $0xFFFF8000  }
0xf6: {  	[hbm4b:s14+s3] =	stream.linear.scatter [tilespmem:s10], [sflag:$0x4], $0x8000, $0x38;
	[tilespmem:$0x18080] =	vst v63  }
0xf7: {  	_ =	swait.ge [sflag:s4], $0x8000  }
0xf8: {  	[sflag:s4] =	ssyncset.done $0x0  }
0xf9: {  	[sflag:s4] =	ssyncadd.s32 $0xFFFF8000  }
0xfa: {  	p0 =	sne.s32 s8, $0x1;
	_ =	swait.ge [sflag:s11], $0x8000  }
.Ltmp0:
0xfb: {  	[sflag:s11] =	ssyncset.done $0x0;
	(pc) =	sbr.rel @p0 .LBB2_1-.Ltmp0, $4  }
0xfc: {  	[sflag:s11] =	ssyncadd.s32 $0xFFFF8000  }
0xfd: {  	_ =	swait.ge [sflag:s31], $0x8000  }
0xfe: {  	[sflag:s31] =	ssyncset.done $0x0  }
0xff: {  	s8 =	sadd.s32 $0xFFFFFFFF, s8;
	[sflag:s31] =	ssyncadd.s32 $0xFFFF8000  }
0x100: {  	_ =	sfence.sel $0x180000  }
0x101: {  	[bflag:$0x0] =	sbarrier.arrive $0xFFFF  }
0x102: {  	_ =	strace $0x90000047  }
0x103: {  	s0 =	stileid.u32;
	[bflag:$0x2] =	sbarrier.arrive $0xFFFF  }
0x104: {  	p0 =	sne.s32 s0, $0x0;
	s0 =	rddreg [dreg:$0x3]  }
0x105: {  	s0 =	sadd.s32 @!p0 $0x100000, s0  }
0x106: {  	[sflag:s0] =	ssyncadd.tile.s32 @!p0 $0x1;
	_ =	shalt  }
.Lfunc_end2:
_tile_overlayer_lowered:
.L_overlay_start_2:
0x107: {  	(tag) =	ssettag $0x2  }
0x108: {  	s0 =	rddreg [dreg:$0x0];
	s2 =	stileid.u32  }
0x109: {  	s1 =	rddreg [dreg:$0x1];
	p0 =	sne.s32 s2, $0x0  }
0x10a: {  	s3 =	rddreg [dreg:$0x2];
	[bflag:$0x3] =	sbarrier.arrive $0xFFFF;
	s2 =	simm.s32 @!p0 $0x1C09  }
0x10b: {  	[timem:s3], [sflag:s2] =	dma.local @!p0 [hbm:s0], s1  }
0x10c: {  	s0 =	simm.s32 @!p0 $0x9  }
0x10d: {  	_ =	swait.ge @!p0 [sflag:s0], s1  }
0x10e: {  	s1 =	ssub.s32 @!p0 $0x0, s1;
	[sflag:s0] =	ssyncset.done @!p0 $0x0  }
0x10f: {  	[sflag:s0] =	ssyncadd.s32 @!p0 s1  }
0x110: {  	[bflag:$0x3] =	sbarrier.arrive $0xFFFF  }
0x111: {  	_ =	shalt  }

</sc_bundles>
